<compile_context>
chip_gen: v7x
topology: tpu7x:2x2x1
jax: 0.10.2.dev20260603
libtpu: 0.0.44.dev20260713+nightly
codegen_flags: <defaults>
</compile_context>

<pallas_src>
import jax
import jax.numpy as jnp
from jax import lax
from jax.experimental import pallas as pl
from jax.experimental.pallas import tpu as pltpu
from jax.experimental.pallas import tpu_sc as plsc

SEQ = 9
DM = 1024
EPS = 1e-7


def _renorm_body(table_hbm, enc_hbm, row_v, sq_v):
    wid = lax.axis_index("c") * 16 + lax.axis_index("s")

    @pl.when(wid < SEQ)
    def _():
        pltpu.sync_copy(table_hbm.at[wid], row_v)

        def sumsq(j, acc):
            v = row_v[pl.ds(j * 16, 16)]
            return acc + v * v

        acc = lax.fori_loop(0, DM // 16, sumsq, jnp.zeros((16,), jnp.float32))
        sq_v[...] = acc
        def lanesum(j, tot):
            return tot + plsc.load_gather(sq_v, [jnp.full((16,), j, jnp.int32)])

        nsq = lax.fori_loop(0, 16, lanesum, jnp.zeros((16,), jnp.float32))
        i = plsc.bitcast(nsq, jnp.int32)
        y = plsc.bitcast(jnp.int32(0x5F3759DF) - (i >> 1), jnp.float32)
        for _ in range(4):
            y = y * (1.5 - 0.5 * nsq * y * y)
        norm = nsq * y
        scale = jnp.where(norm > 1.0, 1.0 / (norm + EPS), jnp.float32(1.0))

        def scale_row(j, c):
            sl = pl.ds(j * 16, 16)
            row_v[sl] = row_v[sl] * scale
            return c

        lax.fori_loop(0, DM // 16, scale_row, 0)
        pltpu.sync_copy(row_v, enc_hbm.at[wid])


def _renorm_table_sc(table):
    return pl.kernel(
        _renorm_body,
        out_type=jax.ShapeDtypeStruct((SEQ, DM), jnp.float32),
        mesh=plsc.VectorSubcoreMesh(
            core_axis_name="c", subcore_axis_name="s", num_cores=1
        ),
        scratch_types=[
            pltpu.VMEM((DM,), jnp.float32),
            pltpu.VMEM((16,), jnp.float32),
        ],
        compiler_params=pltpu.CompilerParams(needs_layout_passes=False),
    )(table)


def _add_enc_kernel(x_ref, enc_ref, o_ref):
    sid = lax.rem(pl.program_id(0), SEQ)
    row = enc_ref[pl.ds(sid, 1), :]
    o_ref[...] = x_ref[...] + row[None]


def kernel(x, table):
    b, s, n, d = x.shape
    enc = _renorm_table_sc(table)
    xr = x.reshape(b * s, n, d)
    out = pl.pallas_call(
        _add_enc_kernel,
        grid=(b * s,),
        in_specs=[
            pl.BlockSpec((1, n, d), lambda i: (i, 0, 0)),
            pl.BlockSpec((SEQ, d), lambda i: (0, 0)),
        ],
        out_specs=pl.BlockSpec((1, n, d), lambda i: (i, 0, 0)),
        out_shape=jax.ShapeDtypeStruct((b * s, n, d), x.dtype),
        compiler_params=pltpu.CompilerParams(
            dimension_semantics=("arbitrary",),
            vmem_limit_bytes=60 * 1024 * 1024,
        ),
    )(xr, enc)
    return out.reshape(b, s, n, d)

# --- scband reference (transcript-rebuilt; emitter-appended) ---
"""Pipeline reference for scband-learnedbb3d-encoding-84653805404580 (READ-ONLY COPY).

The authoritative reference and input builder live on the scoring server;
editing this copy changes nothing except your own understanding.
"""

import jax, jax.numpy as jnp
import numpy as np

SEQ_LEN = 9
D_MODEL = 1024


def setup_inputs(seed: int = 0) -> dict:
    key = jax.random.key(seed)
    k_x, k_w = jax.random.split(key)
    x = jax.random.normal(k_x, (2, SEQ_LEN, 2048, D_MODEL), dtype=jnp.float32)
    # learned positional embedding table (nn.Embedding(seq_len, d_model) init ~ N(0,1))
    table = jax.random.normal(k_w, (SEQ_LEN, D_MODEL), dtype=jnp.float32)
    return {"x": x, "table": table}


def _renorm(table, max_norm=1.0, eps=1e-7):
    # torch nn.Embedding(max_norm=True) renormalizes looked-up rows whose L2 norm exceeds 1.0
    norms = jnp.linalg.norm(table, ord=2, axis=1, keepdims=True)
    scale = jnp.where(norms > max_norm, max_norm / (norms + eps), 1.0)
    return table * scale


def reference(x, table):
    idx = jnp.arange(SEQ_LEN)
    enc = jnp.take(_renorm(table), idx, axis=0)          # [seq_len, d_model] gather
    enc = enc[None, :, None, :]                          # [1, seq_len, 1, d_model]
    out = x + enc                                        # broadcast add
    # dropout is identity in eval mode
    return out

if __name__ == "__main__":
    import jax
    _d = setup_inputs()
    print(jax.jit(kernel)(*tuple(_d.values())))

</pallas_src>

<mosaic_0001>
#map = affine_map<(d0, d1) -> (0, 0)>
module attributes {stable_mosaic.version = 14 : i64} {
  func.func @_renorm_body(%arg0: i32, %arg1: i32, %arg2: memref<9x1024xf32, #tpu.memory_space<hbm>>, %arg3: memref<9x1024xf32, #tpu.memory_space<hbm>>, %arg4: memref<1024xf32, #tpu.memory_space<vmem>>, %arg5: memref<16xf32, #tpu.memory_space<vmem>>) attributes {dimension_semantics = [#tpu.dimension_semantics<core_parallel>, #tpu.dimension_semantics<subcore_parallel>], iteration_bounds = array<i64: 1, 16>, scalar_prefetch = 0 : i64, scratch_operands = 2 : i64, tpu.core_type = #tpu.core_type<sc_vector_subcore>, window_params = [{transform_indices = #map}, {transform_indices = #map}]} {
    %mul3A = arith.constant 16 : i32
    %mul3A_0 = arith.muli %arg0, %mul3A : i32
    %add3A = arith.addi %mul3A_0, %arg1 : i32
    %lt3A = arith.constant 9 : i32
    %lt3A_1 = arith.cmpi slt, %add3A, %lt3A : i32
    %convert_element_type3A = arith.extui %lt3A_1 : i1 to i32
    %cond3A = arith.constant 0 : i32
    %cond3A_2 = arith.cmpi ne, %convert_element_type3A, %cond3A : i32
    scf.if %cond3A_2 {
      "tpu.region"() ({
        %run_scoped3A = tpu.sem_alloc : memref<!tpu.dma_semaphore, #tpu.memory_space<semaphore_mem>>
        %dma_start3A = arith.constant 0 : i32
        %dma_start3A_74 = tpu.memref_slice %arg2[%add3A, %dma_start3A] : memref<9x1024xf32, #tpu.memory_space<hbm>> -> memref<1x1024xf32, #tpu.memory_space<hbm>>
        %dma_start3A_75 = tpu.memref_squeeze %dma_start3A_74 : memref<1x1024xf32, #tpu.memory_space<hbm>> -> memref<1024xf32, #tpu.memory_space<hbm>>
        %dma_start3A_76 = arith.constant 0 : i32
        %dma_start3A_77 = tpu.memref_slice %arg2[%add3A, %dma_start3A_76] : memref<9x1024xf32, #tpu.memory_space<hbm>> -> memref<1x1024xf32, #tpu.memory_space<hbm>>
        %dma_start3A_78 = tpu.memref_squeeze %dma_start3A_77 : memref<1x1024xf32, #tpu.memory_space<hbm>> -> memref<1024xf32, #tpu.memory_space<hbm>>
        tpu.enqueue_dma source(%dma_start3A_78 : memref<1024xf32, #tpu.memory_space<hbm>>) target(%arg4 : memref<1024xf32, #tpu.memory_space<vmem>>) target_semaphore(%run_scoped3A : memref<!tpu.dma_semaphore, #tpu.memory_space<semaphore_mem>>)
        %dma_wait3A = arith.constant 0 : i32
        %dma_wait3A_79 = tpu.memref_slice %arg2[%add3A, %dma_wait3A] : memref<9x1024xf32, #tpu.memory_space<hbm>> -> memref<1x1024xf32, #tpu.memory_space<hbm>>
        %dma_wait3A_80 = tpu.memref_squeeze %dma_wait3A_79 : memref<1x1024xf32, #tpu.memory_space<hbm>> -> memref<1024xf32, #tpu.memory_space<hbm>>
        %dma_wait3A_81 = arith.constant 0 : i32
        %dma_wait3A_82 = tpu.memref_slice %arg2[%add3A, %dma_wait3A_81] : memref<9x1024xf32, #tpu.memory_space<hbm>> -> memref<1x1024xf32, #tpu.memory_space<hbm>>
        %dma_wait3A_83 = tpu.memref_squeeze %dma_wait3A_82 : memref<1x1024xf32, #tpu.memory_space<hbm>> -> memref<1024xf32, #tpu.memory_space<hbm>>
        tpu.wait_dma2 semaphore(%run_scoped3A : memref<!tpu.dma_semaphore, #tpu.memory_space<semaphore_mem>>) src(%dma_wait3A_83 : memref<1024xf32, #tpu.memory_space<hbm>>) dst(%arg4 : memref<1024xf32, #tpu.memory_space<vmem>>)
        tpu.yield
      }) : () -> ()
      %broadcast_in_dim3A = arith.constant 0.000000e+00 : f32
      %broadcast_in_dim3A_3 = vector.broadcast %broadcast_in_dim3A : f32 to vector<16xf32>
      %scan3A = arith.constant 0 : i32
      %scan3A_4 = arith.constant 64 : i32
      %scan3A_5 = arith.addi %scan3A, %scan3A_4 : i32
      %scan3A_6 = arith.constant 1 : i32
      %scan3A_7 = scf.for %scan3A_74 = %scan3A to %scan3A_5 step %scan3A_6 iter_args(%scan3A_75 = %broadcast_in_dim3A_3) -> (vector<16xf32>)  : i32 {
        %mul3A_76 = arith.constant 16 : i32
        %mul3A_77 = arith.muli %scan3A_74, %mul3A_76 : i32
        %get3A = arith.index_cast %mul3A_77 : i32 to index
        %get3A_78 = tpu.vector_load %arg4[%get3A] {strides = array<i32>} : memref<1024xf32, #tpu.memory_space<vmem>>, vector<16xf32>,
        %mul3A_79 = arith.mulf %get3A_78, %get3A_78 : vector<16xf32>
        %add3A_80 = arith.addf %scan3A_75, %mul3A_79 : vector<16xf32>
        scf.yield %add3A_80 : vector<16xf32>
      }
      %scan3A_8 = arith.constant 64 : i32
      %swap3A = arith.constant 0 : index
      %swap3A_9 = tpu.vector_load %arg5[%swap3A] {strides = array<i32>} : memref<16xf32, #tpu.memory_space<vmem>>, vector<16xf32>,
      tpu.vector_store %arg5[%swap3A], %scan3A_7 {strides = array<i32>} : memref<16xf32, #tpu.memory_space<vmem>>, vector<16xf32>,
      %broadcast_in_dim3A_10 = arith.constant 0.000000e+00 : f32
      %broadcast_in_dim3A_11 = vector.broadcast %broadcast_in_dim3A_10 : f32 to vector<16xf32>
      %scan3A_12 = arith.constant 0 : i32
      %scan3A_13 = arith.constant 16 : i32
      %scan3A_14 = arith.addi %scan3A_12, %scan3A_13 : i32
      %scan3A_15 = arith.constant 1 : i32
      %scan3A_16 = scf.for %scan3A_74 = %scan3A_12 to %scan3A_14 step %scan3A_15 iter_args(%scan3A_75 = %broadcast_in_dim3A_11) -> (vector<16xf32>)  : i32 {
        %broadcast_in_dim3A_76 = vector.broadcast %scan3A_74 : i32 to vector<16xi32>
        %gather3A = tpu.vector_load_idx %arg5[%broadcast_in_dim3A_76] : memref<16xf32, #tpu.memory_space<vmem>>[vector<16xi32>], vector<16xf32>,
        %add3A_77 = arith.addf %scan3A_75, %gather3A : vector<16xf32>
        scf.yield %add3A_77 : vector<16xf32>
      }
      %scan3A_17 = arith.constant 16 : i32
      %bitcast3A = vector.bitcast %scan3A_16 : vector<16xf32> to vector<16xi32>
      %shift_right_arithmetic3A = arith.constant 1 : i32
      %shift_right_arithmetic3A_18 = vector.broadcast %shift_right_arithmetic3A : i32 to vector<16xi32>
      %shift_right_arithmetic3A_19 = arith.shrsi %bitcast3A, %shift_right_arithmetic3A_18 : vector<16xi32>
      %sub3A = arith.constant 1597463007 : i32
      %sub3A_20 = vector.broadcast %sub3A : i32 to vector<16xi32>
      %sub3A_21 = arith.subi %sub3A_20, %shift_right_arithmetic3A_19 : vector<16xi32>
      %bitcast3A_22 = vector.bitcast %sub3A_21 : vector<16xi32> to vector<16xf32>
      %mul3A_23 = arith.constant 5.000000e-01 : f32
      %mul3A_24 = vector.broadcast %mul3A_23 : f32 to vector<16xf32>
      %mul3A_25 = arith.mulf %mul3A_24, %scan3A_16 : vector<16xf32>
      %mul3A_26 = arith.mulf %mul3A_25, %bitcast3A_22 : vector<16xf32>
      %mul3A_27 = arith.mulf %mul3A_26, %bitcast3A_22 : vector<16xf32>
      %sub3A_28 = arith.constant 1.500000e+00 : f32
      %sub3A_29 = vector.broadcast %sub3A_28 : f32 to vector<16xf32>
      %sub3A_30 = arith.subf %sub3A_29, %mul3A_27 : vector<16xf32>
      %mul3A_31 = arith.mulf %bitcast3A_22, %sub3A_30 : vector<16xf32>
      %mul3A_32 = arith.constant 5.000000e-01 : f32
      %mul3A_33 = vector.broadcast %mul3A_32 : f32 to vector<16xf32>
      %mul3A_34 = arith.mulf %mul3A_33, %scan3A_16 : vector<16xf32>
      %mul3A_35 = arith.mulf %mul3A_34, %mul3A_31 : vector<16xf32>
      %mul3A_36 = arith.mulf %mul3A_35, %mul3A_31 : vector<16xf32>
      %sub3A_37 = arith.constant 1.500000e+00 : f32
      %sub3A_38 = vector.broadcast %sub3A_37 : f32 to vector<16xf32>
      %sub3A_39 = arith.subf %sub3A_38, %mul3A_36 : vector<16xf32>
      %mul3A_40 = arith.mulf %mul3A_31, %sub3A_39 : vector<16xf32>
      %mul3A_41 = arith.constant 5.000000e-01 : f32
      %mul3A_42 = vector.broadcast %mul3A_41 : f32 to vector<16xf32>
      %mul3A_43 = arith.mulf %mul3A_42, %scan3A_16 : vector<16xf32>
      %mul3A_44 = arith.mulf %mul3A_43, %mul3A_40 : vector<16xf32>
      %mul3A_45 = arith.mulf %mul3A_44, %mul3A_40 : vector<16xf32>
      %sub3A_46 = arith.constant 1.500000e+00 : f32
      %sub3A_47 = vector.broadcast %sub3A_46 : f32 to vector<16xf32>
      %sub3A_48 = arith.subf %sub3A_47, %mul3A_45 : vector<16xf32>
      %mul3A_49 = arith.mulf %mul3A_40, %sub3A_48 : vector<16xf32>
      %mul3A_50 = arith.constant 5.000000e-01 : f32
      %mul3A_51 = vector.broadcast %mul3A_50 : f32 to vector<16xf32>
      %mul3A_52 = arith.mulf %mul3A_51, %scan3A_16 : vector<16xf32>
      %mul3A_53 = arith.mulf %mul3A_52, %mul3A_49 : vector<16xf32>
      %mul3A_54 = arith.mulf %mul3A_53, %mul3A_49 : vector<16xf32>
      %sub3A_55 = arith.constant 1.500000e+00 : f32
      %sub3A_56 = vector.broadcast %sub3A_55 : f32 to vector<16xf32>
      %sub3A_57 = arith.subf %sub3A_56, %mul3A_54 : vector<16xf32>
      %mul3A_58 = arith.mulf %mul3A_49, %sub3A_57 : vector<16xf32>
      %mul3A_59 = arith.mulf %scan3A_16, %mul3A_58 : vector<16xf32>
      %gt3A = arith.constant 1.000000e+00 : f32
      %gt3A_60 = vector.broadcast %gt3A : f32 to vector<16xf32>
      %gt3A_61 = arith.cmpf ogt, %mul3A_59, %gt3A_60 : vector<16xf32>
      %add3A_62 = arith.constant 1.000000e-07 : f32
      %add3A_63 = vector.broadcast %add3A_62 : f32 to vector<16xf32>
      %add3A_64 = arith.addf %mul3A_59, %add3A_63 : vector<16xf32>
      %div3A = arith.constant 1.000000e+00 : f32
      %div3A_65 = vector.broadcast %div3A : f32 to vector<16xf32>
      %div3A_66 = arith.divf %div3A_65, %add3A_64 : vector<16xf32>
      %jit3A = arith.constant 1.000000e+00 : f32
      %broadcast_in_dim3A_67 = vector.broadcast %jit3A : f32 to vector<16xf32>
      %select_n3A = arith.select %gt3A_61, %div3A_66, %broadcast_in_dim3A_67 : vector<16xi1>, vector<16xf32>
      %scan3A_68 = arith.constant 0 : i32
      %scan3A_69 = arith.constant 0 : i32
      %scan3A_70 = arith.constant 64 : i32
      %scan3A_71 = arith.addi %scan3A_69, %scan3A_70 : i32
      %scan3A_72 = arith.constant 1 : i32
      scf.for %scan3A_74 = %scan3A_69 to %scan3A_71 step %scan3A_72  : i32 {
        %mul3A_75 = arith.constant 16 : i32
        %mul3A_76 = arith.muli %scan3A_74, %mul3A_75 : i32
        %get3A = arith.index_cast %mul3A_76 : i32 to index
        %get3A_77 = tpu.vector_load %arg4[%get3A] {strides = array<i32>} : memref<1024xf32, #tpu.memory_space<vmem>>, vector<16xf32>,
        %mul3A_78 = arith.mulf %get3A_77, %select_n3A : vector<16xf32>
        %swap3A_79 = arith.index_cast %mul3A_76 : i32 to index
        %swap3A_80 = tpu.vector_load %arg4[%swap3A_79] {strides = array<i32>} : memref<1024xf32, #tpu.memory_space<vmem>>, vector<16xf32>,
        tpu.vector_store %arg4[%swap3A_79], %mul3A_78 {strides = array<i32>} : memref<1024xf32, #tpu.memory_space<vmem>>, vector<16xf32>,
      }
      %scan3A_73 = arith.constant 64 : i32
      "tpu.region"() ({
        %run_scoped3A = tpu.sem_alloc : memref<!tpu.dma_semaphore, #tpu.memory_space<semaphore_mem>>
        %dma_start3A = arith.constant 0 : i32
        %dma_start3A_74 = tpu.memref_slice %arg3[%add3A, %dma_start3A] : memref<9x1024xf32, #tpu.memory_space<hbm>> -> memref<1x1024xf32, #tpu.memory_space<hbm>>
        %dma_start3A_75 = tpu.memref_squeeze %dma_start3A_74 : memref<1x1024xf32, #tpu.memory_space<hbm>> -> memref<1024xf32, #tpu.memory_space<hbm>>
        %dma_start3A_76 = arith.constant 0 : i32
        %dma_start3A_77 = tpu.memref_slice %arg3[%add3A, %dma_start3A_76] : memref<9x1024xf32, #tpu.memory_space<hbm>> -> memref<1x1024xf32, #tpu.memory_space<hbm>>
        %dma_start3A_78 = tpu.memref_squeeze %dma_start3A_77 : memref<1x1024xf32, #tpu.memory_space<hbm>> -> memref<1024xf32, #tpu.memory_space<hbm>>
        tpu.enqueue_dma source(%arg4 : memref<1024xf32, #tpu.memory_space<vmem>>) target(%dma_start3A_78 : memref<1024xf32, #tpu.memory_space<hbm>>) target_semaphore(%run_scoped3A : memref<!tpu.dma_semaphore, #tpu.memory_space<semaphore_mem>>)
        %dma_wait3A = arith.constant 0 : i32
        %dma_wait3A_79 = tpu.memref_slice %arg3[%add3A, %dma_wait3A] : memref<9x1024xf32, #tpu.memory_space<hbm>> -> memref<1x1024xf32, #tpu.memory_space<hbm>>
        %dma_wait3A_80 = tpu.memref_squeeze %dma_wait3A_79 : memref<1x1024xf32, #tpu.memory_space<hbm>> -> memref<1024xf32, #tpu.memory_space<hbm>>
        %dma_wait3A_81 = arith.constant 0 : i32
        %dma_wait3A_82 = tpu.memref_slice %arg3[%add3A, %dma_wait3A_81] : memref<9x1024xf32, #tpu.memory_space<hbm>> -> memref<1x1024xf32, #tpu.memory_space<hbm>>
        %dma_wait3A_83 = tpu.memref_squeeze %dma_wait3A_82 : memref<1x1024xf32, #tpu.memory_space<hbm>> -> memref<1024xf32, #tpu.memory_space<hbm>>
        tpu.wait_dma2 semaphore(%run_scoped3A : memref<!tpu.dma_semaphore, #tpu.memory_space<semaphore_mem>>) src(%arg4 : memref<1024xf32, #tpu.memory_space<vmem>>) dst(%dma_wait3A_83 : memref<1024xf32, #tpu.memory_space<hbm>>)
        tpu.yield
      }) : () -> ()
    } else {
    }
    return
  }
}

module attributes {stable_mosaic.version = 14 : i64} {
  func.func @_add_enc_kernel(%arg0: i32, %arg1: memref<1x2048x1024xf32, #tpu.memory_space<vmem>>, %arg2: memref<9x1024xf32, #tpu.memory_space<vmem>>, %arg3: memref<1x2048x1024xf32, #tpu.memory_space<vmem>>) attributes {dimension_semantics = [#tpu.dimension_semantics<arbitrary>], iteration_bounds = array<i64: 18>, scalar_prefetch = 0 : i64, scratch_operands = 0 : i64, tpu.core_type = #tpu.core_type<tc>, window_params = [{transform_indices = @transform_0, window_bounds = array<i64: 1, 2048, 1024>}, {pipeline_mode = #tpu.pipeline_mode<synchronous>, transform_indices = @transform_1, window_bounds = array<i64: 9, 1024>}, {transform_indices = @transform_2, window_bounds = array<i64: 1, 2048, 1024>}]} {
    %rem3A = arith.constant 9 : i32
    %rem3A_0 = arith.remsi %arg0, %rem3A : i32
    %get3A = arith.index_cast %rem3A_0 : i32 to index
    %get3A_1 = arith.constant 0 : index
    %get3A_2 = vector.load %arg2[%get3A, %get3A_1] : memref<9x1024xf32, #tpu.memory_space<vmem>>, vector<1x1024xf32>
    %get3A_3 = arith.constant 0 : index
    %get3A_4 = arith.constant 0 : index
    %get3A_5 = arith.constant 0 : index
    %get3A_6 = vector.load %arg1[%get3A_3, %get3A_4, %get3A_5] : memref<1x2048x1024xf32, #tpu.memory_space<vmem>>, vector<1x2048x1024xf32>
    %broadcast_in_dim3A = vector.shape_cast %get3A_2 : vector<1x1024xf32> to vector<1x1x1024xf32>
    %add3A = vector.broadcast %broadcast_in_dim3A : vector<1x1x1024xf32> to vector<1x2048x1024xf32>
    %add3A_7 = arith.addf %get3A_6, %add3A : vector<1x2048x1024xf32>
    %swap3A = arith.constant 0 : index
    %swap3A_8 = arith.constant 0 : index
    %swap3A_9 = arith.constant 0 : index
    %swap3A_10 = vector.load %arg3[%swap3A, %swap3A_8, %swap3A_9] : memref<1x2048x1024xf32, #tpu.memory_space<vmem>>, vector<1x2048x1024xf32>
    tpu.vector_store %arg3[%swap3A, %swap3A_8, %swap3A_9], %add3A_7 {strides = array<i32>} : memref<1x2048x1024xf32, #tpu.memory_space<vmem>>, vector<1x2048x1024xf32>,
    return
  }
  func.func @transform_0(%arg0: i32) -> (i32, i32, i32) {
    %c0_i32 = arith.constant 0 : i32
    %c0_i32_0 = arith.constant 0 : i32
    %c0_i32_1 = arith.constant 0 : i32
    return %arg0, %c0_i32, %c0_i32_0 : i32, i32, i32
  }
  func.func @transform_1(%arg0: i32) -> (i32, i32) {
    %c0_i32 = arith.constant 0 : i32
    %c0_i32_0 = arith.constant 0 : i32
    %c0_i32_1 = arith.constant 0 : i32
    return %c0_i32, %c0_i32_0 : i32, i32
  }
  func.func @transform_2(%arg0: i32) -> (i32, i32, i32) {
    %c0_i32 = arith.constant 0 : i32
    %c0_i32_0 = arith.constant 0 : i32
    %c0_i32_1 = arith.constant 0 : i32
    return %arg0, %c0_i32, %c0_i32_0 : i32, i32, i32
  }
}

</mosaic_0001>

<sc_bundles>
// kernel: kernel.4.cloned.1.call-start
scs
__scs_entry_jumppad:
0x0: {  	(pc) =	sbr.rel $0x88, $3  }
0x1: {  	(tag) =	ssettag $0x0;
	lr =	simm.s32 $0x1  }
0x2: {  	[smem:$0x3F9F] =	sst lr;
	_ =	strace $0xD0000000  }
0x3: {  	_ = 	snop  }
0x4: {  	_ = 	snop  }
0x5: {  	_ = 	snop  }
0x6: {  	_ = 	snop  }
0x7: {  	_ = 	snop  }
__scs_overlays_trampoline_lowered:
0x8: {  	[smem:$0x3FAE] =	sst s0  }
0x9: {  	[smem:$0x3FAF] =	sst s1  }
0xa: {  	[smem:$0x3FB0] =	sst s2  }
0xb: {  	[smem:$0x3FB1] =	sst s3  }
0xc: {  	[smem:$0x3FB2] =	sst s4  }
0xd: {  	[smem:$0x3FB3] =	sst s5  }
0xe: {  	[smem:$0x3FB4] =	sst s6  }
0xf: {  	[smem:$0x3FB5] =	sst s7  }
0x10: {  	[smem:$0x3FB6] =	sst s8  }
0x11: {  	[smem:$0x3FB7] =	sst s9;
	s0 =	simm.s32 @!p0 $0x0  }
0x12: {  	s1 =	sld [smem:$0x3F9D];
	s0 =	simm.s32 @p0 $0x1  }
0x13: {  	[smem:$0x3FB8] =	sst s0;
	s0 =	simm.s32 @!p1 $0x0  }
0x14: {  	s2 =	sld [smem:$0x3F9C];
	s0 =	simm.s32 @p1 $0x1  }
0x15: {  	[smem:$0x3FB9] =	sst s0;
	s0 =	simm.s32 @!p2 $0x0  }
0x16: {  	s3 =	sld [smem:$0x3FDB];
	s0 =	simm.s32 @p2 $0x1  }
0x17: {  	s4 =	simm.s32 $0x1BF5;
	[smem:$0x3FBB] =	sst s0  }
0x18: {  	s0 =	sld [smem:$0x3F9E];
	_ =	swait.ge [sflag:s4], $0x0  }
0x19: {  	s7 =	sld [smem:$0x3F9F]  }
0x1a: {  	s8 =	sadd.s32 $0xFFFFE003, lr  }
0x1b: {  	s9 =	sadd.s32 $0xFFFFFEF7, lr;
	s5 =	simm.s32 $0xFFFFFFFF;
	p2 =	slt.u32 s8, $0xFFFFF086  }
0x1c: {  	p1 =	slt.u32 s9, $0xF7A;
	s5 =	simm.s32 @!p2 $0x0  }
0x1d: {  	s5 =	simm.s32 @p1 $0x1;
	p0 =	seq.s32 s7, s2  }
0x1e: {  	s7 =	smul.u32 @!p0 $0xF7A, s2;
	p2 =	seq.s32 @!p0 s5, $0x0  }
0x1f: {  	s9 =	smul.u32 $0xF7A, s1;
	s8 =	simm.s32 @!p0 $0x1BF5;
	p2 =	por !p2, p0  }
0x20: {  	[sflag:s8] =	ssyncset.s32 @!p0 $0xFFFFF086;
	s6 =	sadd.s32 @!p0 s3, s7;
	s7 =	simm.s32 @!p0 $0x108  }
0x21: {  	s3 =	sadd.s32 s3, s9;
	s6 =	sadd.s32 @!p0 $0x88, s6;
	s7 =	simm.s32 @p2 $0x1082  }
0x22: {  	[simem:s7], [sflag:s8] =	dma.local @!p0 [hbm:s6], $0xF7A  }
0x23: {  	s9 =	sor.u32 $0xD0000000, s2;
	s6 =	simm.s32 $0x108;
	_ =	swait.ge @!p0 [sflag:s8], $0x0  }
0x24: {  	s3 =	sadd.s32 $0x88, s3;
	s6 =	simm.s32 @!p1 $0x1082;
	[sflag:s4] =	ssyncset.s32 $0xFFFFF086  }
0x25: {  	[simem:s6], [sflag:s4] =	dma.local [hbm:s3], $0xF7A  }
0x26: {  	[smem:$0x3F9F] =	sst s1;
	(tag) =	ssettag s2;
	_ =	strace s9  }
0x27: {  	s1 =	sld [smem:$0x3FAF]  }
0x28: {  	s2 =	sld [smem:$0x3FB0]  }
0x29: {  	s4 =	sld [smem:$0x3FB2]  }
0x2a: {  	p0 =	seq.s32 s5, $0x0;
	s5 =	sld [smem:$0x3FB3]  }
0x2b: {  	s6 =	sld [smem:$0x3FB4]  }
0x2c: {  	s7 =	sld [smem:$0x3FB5]  }
0x2d: {  	s3 =	simm.s32 $0x108;
	s8 =	sld [smem:$0x3FB6]  }
0x2e: {  	s3 =	simm.s32 @!p0 $0x1082;
	s9 =	sld [smem:$0x3FB7]  }
0x2f: {  	lr =	sadd.s32 s0, s3;
	s0 =	sld [smem:$0x3FAE]  }
0x30: {  	s3 =	sld [smem:$0x3FB1]  }
0x31: {  	[smem:$0x3FBA] =	sst s10  }
0x32: {  	s10 =	sld [smem:$0x3FB8];
	_ =	sdelay $0x3  }
0x33: {  	p0 =	seq.s32 s10, $0x1;
	s10 =	sld [smem:$0x3FBA];
	_ =	sdelay $0x3  }
0x34: {  	[smem:$0x3FBA] =	sst s10  }
0x35: {  	s10 =	sld [smem:$0x3FB9];
	_ =	sdelay $0x3  }
0x36: {  	p1 =	seq.s32 s10, $0x1;
	s10 =	sld [smem:$0x3FBA];
	_ =	sdelay $0x3  }
0x37: {  	[smem:$0x3FBA] =	sst s10  }
0x38: {  	s10 =	sld [smem:$0x3FBB]  }
0x39: {  	_ = 	snop;
	(pc) =	sbr.ind lr, $3  }
0x3a: {  	_ = 	snop  }
0x3b: {  	_ = 	snop  }
0x3c: {  	p2 =	seq.s32 s10, $0x1;
	s10 =	sld [smem:$0x3FBA]  }
0x3d: {  	_ =	shalt  }
0x3e: {  	_ =	shalt  }
0x3f: {  	_ =	shalt  }
0x40: {  	_ =	shalt  }
0x41: {  	_ =	shalt  }
0x42: {  	_ =	shalt  }
0x43: {  	_ =	shalt  }
0x44: {  	_ =	shalt  }
0x45: {  	_ =	shalt  }
0x46: {  	_ =	shalt  }
0x47: {  	_ =	shalt  }
0x48: {  	_ =	shalt  }
0x49: {  	_ =	shalt  }
0x4a: {  	_ =	shalt  }
0x4b: {  	_ =	shalt  }
0x4c: {  	_ =	shalt  }
0x4d: {  	_ =	shalt  }
0x4e: {  	_ =	shalt  }
0x4f: {  	_ =	shalt  }
0x50: {  	_ =	shalt  }
0x51: {  	_ =	shalt  }
0x52: {  	_ =	shalt  }
0x53: {  	_ =	shalt  }
0x54: {  	_ =	shalt  }
0x55: {  	_ =	shalt  }
0x56: {  	_ =	shalt  }
0x57: {  	_ =	shalt  }
0x58: {  	_ =	shalt  }
0x59: {  	_ =	shalt  }
0x5a: {  	_ =	shalt  }
0x5b: {  	_ =	shalt  }
0x5c: {  	_ =	shalt  }
0x5d: {  	_ =	shalt  }
0x5e: {  	_ =	shalt  }
0x5f: {  	_ =	shalt  }
0x60: {  	_ =	shalt  }
0x61: {  	_ =	shalt  }
0x62: {  	_ =	shalt  }
0x63: {  	_ =	shalt  }
0x64: {  	_ =	shalt  }
0x65: {  	_ =	shalt  }
0x66: {  	_ =	shalt  }
0x67: {  	_ =	shalt  }
0x68: {  	_ =	shalt  }
0x69: {  	_ =	shalt  }
0x6a: {  	_ =	shalt  }
0x6b: {  	_ =	shalt  }
0x6c: {  	_ =	shalt  }
0x6d: {  	_ =	shalt  }
0x6e: {  	_ =	shalt  }
0x6f: {  	_ =	shalt  }
0x70: {  	_ =	shalt  }
0x71: {  	_ =	shalt  }
0x72: {  	_ =	shalt  }
0x73: {  	_ =	shalt  }
0x74: {  	_ =	shalt  }
0x75: {  	_ =	shalt  }
0x76: {  	_ =	shalt  }
0x77: {  	_ =	shalt  }
0x78: {  	_ =	shalt  }
0x79: {  	_ =	shalt  }
0x7a: {  	_ =	shalt  }
0x7b: {  	_ =	shalt  }
0x7c: {  	_ =	shalt  }
0x7d: {  	_ =	shalt  }
0x7e: {  	_ =	shalt  }
0x7f: {  	_ =	shalt  }
0x80: {  	_ =	shalt  }
0x81: {  	_ =	shalt  }
0x82: {  	_ =	shalt  }
0x83: {  	_ =	shalt  }
0x84: {  	_ =	shalt  }
0x85: {  	_ =	shalt  }
0x86: {  	_ =	shalt  }
0x87: {  	_ =	shalt  }
.Lfunc_end0:
.L_simem_size_0:
called_computation_lowered:
.L_overlay_start_0:
0x88: {  	s0 =	sld [smem:$0x3FD9]  }
0x89: {  	s1 =	sld [smem:$0x3FFE];
	_ =	sdelay $0x3  }
0x8a: {  	s0 =	sadd.s32 s1, s0  }
0x8b: {  	[smem:$0x3FC6] =	sst s0  }
0x8c: {  	_ = 	snop  }
0x8d: {  	s0 =	sld [smem:$0x3FC8];
	(tm) =	ssettm $0x1  }
0x8e: {  	s16 =	sld [smem:$0x3FFB];
	_ =	sdelay $0x3  }
0x8f: {  	_ =	strace s16  }
0x90: {  	s1 =	sld [smem:$0x3FFC];
	_ =	sdelay $0x3  }
0x91: {  	_ =	strace s1  }
0x92: {  	s1 =	sld [smem:$0x3FFD];
	_ =	sdelay $0x3  }
0x93: {  	_ =	strace s1  }
0x94: {  	_ =	strace $0x8FFFFFFF  }
0x95: {  	s17 =	sld [smem:$0x3FDB];
	_ =	sdelay $0x1  }
0x96: {  	s2 =	simm.s32 $_scs_section_size  }
0x97: {  	s3 =	simm.s32 $_size__tile_overlayer_lowered;
	s4 =	simm.s32 $_tile_overlayer_lowered  }
0x98: {  	s20 =	simm.s32 $0x1BFF;
	s19 =	sshll.u32 s4, $0x1;
	s1 =	sadd.s32 s2, s17  }
0x99: {  	s5 =	simm.s32 $0x0;
	s18 =	sshll.u32 s3, $0x1;
	s3 =	sadd.s32 s19, s1  }
0x9a: {  	[timem:s5], [sflag:s20] =	dma.local [hbm:s3], s18  }
0x9b: {  	_ =	swait.ge [sflag:s20], s18  }
0x9c: {  	s2 =	ssub.s32 $0x0, s18;
	[sflag:s20] =	ssyncset.done $0x0  }
0x9d: {  	[sflag:s20] =	ssyncadd.s32 s2;
	_ =	sdelay $0x1  }
0x9e: {  	s21 =	simm.s32 $0x1B8B  }
0x9f: {  	_ =	swait.ge [sflag:s21], $0x1  }
0xa0: {  	[sflag:s21] =	ssyncset.done $0x0  }
0xa1: {  	s23 =	simm.s32 $0x1B8E;
	s22 =	sld [smem:$0x3FFE];
	[sflag:s21] =	ssyncadd.s32 $0xFFFFFFFF  }
0xa2: {  	s24 =	simm.s32 $execute0_lowered;
	[smem:$0x3FD2] =	sst s23  }
0xa3: {  	s3 =	sshll.u32 s24, $0x1;
	_ =	strace $0x80000046;
	[dreg:$0x1] =	wrdreg $0xFFFFFFFF  }
0xa4: {  	s25 =	simm.s32 $_size_execute0_lowered;
	s1 =	sadd.s32 s1, s3;
	[dreg:$0x0] =	wrdreg $0x0  }
0xa5: {  	s3 =	sshll.u32 s25, $0x1;
	[dreg:$0x2] =	wrdreg s1  }
0xa6: {  	[dreg:$0x3] =	wrdreg s3  }
0xa7: {  	[dreg:$0x4] =	wrdreg $0xC0  }
0xa8: {  	_ =	task [dreg:s5], $0x5FFFF  }
0xa9: {  	[dreg:$0x1] =	wrdreg $0xFFFFFFFF  }
0xaa: {  	[dreg:$0x0] =	wrdreg $0x60  }
0xab: {  	[dreg:$0x2] =	wrdreg s0  }
0xac: {  	[dreg:$0x3] =	wrdreg s22  }
0xad: {  	[dreg:$0x4] =	wrdreg $0x9  }
0xae: {  	_ =	task.clear_ibuf [dreg:s5], $0x5FFFF;
	_ =	strace $0x90000046  }
0xaf: {  	s26 =	simm.s32 $0x9;
	_ =	strace $0x80000048  }
0xb0: {  	_ =	swait.ge [sflag:s26], $0x1  }
0xb1: {  	[sflag:s26] =	ssyncadd.s32 $0xFFFFFFFF  }
0xb2: {  	_ =	strace $0x90000048  }
0xb3: {  	_ =	sfence  }
0xb4: {  	s28 =	sld [smem:$0x0];
	_ =	sdelay $0x1  }
0xb5: {  	s29 =	srdreg.scid  }
0xb6: {  	s30 =	sshll.u32 s29, $0xD;
	s31 =	sshrl.u32 s29, $0x2  }
0xb7: {  	s2 =	sand.u32 $0x4000, s30;
	s1 =	sand.u32 $0x1, s29;
	s0 =	sadd.s32 s31, s28  }
0xb8: {  	s1 =	sor.u32 s2, s1;
	s0 =	sshll.u32 s0, $0x11  }
0xb9: {  	s0 =	sor.u32 s0, s1  }
0xba: {  	s0 =	sadd.s32 $0x8F2B, s0  }
0xbb: {  	[sflag:s0] =	ssyncadd.remote.s32 $0x1  }
0xbc: {  	_ =	sfence.sel $0xFFFF  }
0xbd: {  	[dreg:$0x0] =	wrdreg $0xFFFFFFFF;
	(pc) =	sbr.abs _section_cstart, $3  }
0xbe: {  	[dreg:$0x1] =	wrdreg $0xFFFFFFFF  }
0xbf: {  	_ =	task.clear_ibuf [dreg:s5], $0x2FFFF;
	_ =	strace $0x9FFFFFFF  }
0xc0: {  	(tm) =	ssettm $0x7FFFFFFF  }
0xc1: {  	_ =	shalt  }
tec
execute0_lowered:
.L_overlay_start_1:
0x0: {  	(tag) =	ssettag $0x1  }
0x1: {  	s1 =	stileid.u32  }
0x2: {  	p0 =	sgt.u32 s1, $0x8  }
.Ltmp0:
0x3: {  	_ = 	snop;
	(pc) =	sbr.rel @p0 .LBB2_8-.Ltmp0, $4  }
0x4: {  	s3 =	rddreg [dreg:$0x0]  }
0x5: {  	s2 =	rddreg [dreg:$0x1];
	s4 =	simm.s32 $0x0  }
0x6: {  	[smem:$0x7FF] =	sst s4  }
0x7: {  	s0 =	rddreg [dreg:$0x2];
	_ =	strace $0x80000047  }
0x8: {  	s5 =	sshll.u32 s1, $0x7;
	s6 =	sshll.u32 s1, $0x4  }
0x9: {  	s5 =	sor.u32 s6, s5  }
0xa: {  	s29 =	simm.s32 $0x80;
	s5 =	sand.u32 $0x470, s5  }
0xb: {  	s7 =	simm.s32 $0x400;
	s30 =	simm.s32 $0x1;
	s3 =	sadd.s32 s3, s5  }
0xc: {  	[tilespmem:s4], [sflag:$0x1] =	stream.strided.gather [hbm4b:s3+s29], $0x400, s7, s29, $0x38;
	[tilespmem:$0x480] =	vst v63  }
0xd: {  	_ =	swait.ge [sflag:s30], $0x400  }
0xe: {  	[sflag:s30] =	ssyncset.done $0x0  }
0xf: {  	s31 =	simm.s32 $0x0;
	[sflag:s30] =	ssyncadd.s32 $0xFFFFFC00  }
0x10: {  	s2 =	sadd.s32 s5, s2;
	v1 =	vld [tilespmem:s31+$0x0]  }
0x11: {  	v0 =	vimm.f32 $0.0e+00;
	s2 =	sadd.s32 $0x400, s2;
	s3 =	simm.s32 $0x40  }
.LBB2_2:
0x12: {  	p0 =	sne.s32 s3, $0xFC0  }
.Ltmp1:
0x13: {  	_ = 	snop;
	(pc) =	sbr.rel @p0 .LBB2_2-.Ltmp1, $4  }
0x14: {  	_ = 	snop  }
0x15: {  	s4 =	sshra.s32 s3, $0x2;
	s3 =	sadd.s32 $0x40, s3;
	v2 =	vmul.f32 v1, v1  }
0x16: {  	v1 =	vld [tilespmem:s4+$0x0]  }
0x17: {  	v0 =	vadd.f32 v2, v0  }
0x18: {  	_ =	sdelay $0x1  }
0x19: {  	s3 =	simm.s32 $0x0  }
0x1a: {  	v2 =	vmov s3;
	v1 =	vmul.f32 v1, v1;
	_ =	sdelay $0x1  }
0x1b: {  	v0 =	vadd.f32 v1, v0;
	_ =	sdelay $0x1  }
0x1c: {  	s3 =	simm.s32 $0x400;
	[tilespmem:$0x400] =	vst v0  }
0x1d: {  	s4 =	simm.s32 $0x1;
	v0 =	vimm.f32 $0.0e+00;
	v1 =	vld.idx.msk [tilespmem:v2+s3+$0x0], $0xffff  }
.LBB2_4:
0x1e: {  	v2 =	vmov s4;
	p0 =	sne.s32 s4, $0xF;
	s4 =	sadd.s32 $0x1, s4  }
.Ltmp2:
0x1f: {  	(pc) =	sbr.rel @p0 .LBB2_4-.Ltmp2, $2  }
0x20: {  	_ =	sdelay $0x2  }
0x21: {  	v0 =	vadd.f32 v1, v0;
	v1 =	vld.idx.msk [tilespmem:v2+s3+$0x0], $0xffff  }
0x22: {  	_ =	sdelay $0x3  }
0x23: {  	v0 =	vadd.f32 v1, v0;
	_ =	sdelay $0x1  }
0x24: {  	v1 =	vshra.s32 v0, $0x1;
	v2 =	vmul.f32 $5.000000000e-01, v0  }
0x25: {  	v1 =	vsub.s32 $0x5F3759DF, v1  }
0x26: {  	v3 =	vmul.f32 v1, v2;
	_ =	sdelay $0x1  }
0x27: {  	v3 =	vmul.f32 v1, v3;
	_ =	sdelay $0x1  }
0x28: {  	v3 =	vsub.f32 $1.500000000e+00, v3;
	_ =	sdelay $0x1  }
0x29: {  	v1 =	vmul.f32 v1, v3;
	_ =	sdelay $0x1  }
0x2a: {  	v3 =	vmul.f32 v1, v2;
	_ =	sdelay $0x1  }
0x2b: {  	v3 =	vmul.f32 v3, v1;
	_ =	sdelay $0x1  }
0x2c: {  	v3 =	vsub.f32 $1.500000000e+00, v3;
	_ =	sdelay $0x1  }
0x2d: {  	v1 =	vmul.f32 v3, v1;
	_ =	sdelay $0x1  }
0x2e: {  	v3 =	vmul.f32 v1, v2;
	_ =	sdelay $0x1  }
0x2f: {  	v3 =	vmul.f32 v3, v1;
	_ =	sdelay $0x1  }
0x30: {  	v3 =	vsub.f32 $1.500000000e+00, v3;
	_ =	sdelay $0x1  }
0x31: {  	v1 =	vmul.f32 v3, v1;
	_ =	sdelay $0x1  }
0x32: {  	v2 =	vmul.f32 v1, v2;
	_ =	sdelay $0x1  }
0x33: {  	v2 =	vmul.f32 v2, v1;
	_ =	sdelay $0x1  }
0x34: {  	v2 =	vsub.f32 $1.500000000e+00, v2;
	_ =	sdelay $0x1  }
0x35: {  	v1 =	vmul.f32 v2, v1;
	_ =	sdelay $0x1  }
0x36: {  	v0 =	vmul.f32 v1, v0;
	_ =	sdelay $0x1  }
0x37: {  	v1 =	vadd.f32 $1.000000010e-07, v0;
	_ =	sdelay $0x1  }
0x38: {  	(erf) = vrcp.f32 v1;
	_ =	sdelay $0x8  }
0x39: {  	vm0 =	vgt.f32 v0, $1.000000000e+00;
	v0 =	vpop (erf)  }
0x3a: {  	s3 =	simm.s32 $0x0;
	s4 =	simm.s32 $0x40;
	v0 =	vnsel vm0, $0x3F800000, v0  }
.LBB2_6:
0x3b: {  	p0 =	sne.s32 s4, $0xFC0;
	v1 =	vld [tilespmem:s3+$0x0];
	_ =	sdelay $0x2  }
.Ltmp3:
0x3c: {  	(pc) =	sbr.rel @p0 .LBB2_6-.Ltmp3, $3  }
0x3d: {  	_ = 	snop  }
0x3e: {  	v1 =	vmul.f32 v1, v0;
	_ =	sdelay $0x1  }
0x3f: {  	[tilespmem:s3+$0x0] =	vst v1;
	s3 =	sshra.s32 s4, $0x2;
	s4 =	sadd.s32 $0x40, s4  }
0x40: {  	v1 =	vld [tilespmem:s3+$0x0];
	_ =	sdelay $0x4  }
0x41: {  	v0 =	vmul.f32 v1, v0  }
0x42: {  	s30 =	simm.s32 $0x80  }
0x43: {  	s4 =	simm.s32 $0x400;
	s5 =	simm.s32 $0x0;
	s31 =	simm.s32 $0x1;
	[tilespmem:s3+$0x0] =	vst v0  }
0x44: {  	[hbm4b:s2+s30] =	stream.strided.scatter [tilespmem:s5], [sflag:$0x1], $0x400, s4, s30, $0x38;
	[tilespmem:$0x480] =	vst v63  }
0x45: {  	_ =	swait.ge [sflag:s31], $0x400  }
0x46: {  	[sflag:s31] =	ssyncset.done $0x0  }
0x47: {  	[sflag:s31] =	ssyncadd.s32 $0xFFFFFC00  }
.LBB2_8:
0x48: {  	_ =	sfence.sel $0x180000  }
0x49: {  	[bflag:$0x0] =	sbarrier.arrive $0xFFFF  }
0x4a: {  	p0 =	sne.s32 s1, $0x0;
	_ =	strace $0x90000047  }
0x4b: {  	s0 =	sadd.s32 @!p0 $0x100000, s0;
	[bflag:$0x2] =	sbarrier.arrive $0xFFFF  }
0x4c: {  	[sflag:s0] =	ssyncadd.tile.s32 @!p0 $0x1;
	_ =	shalt  }
.Lfunc_end2:
_tile_overlayer_lowered:
.L_overlay_start_2:
0x4d: {  	(tag) =	ssettag $0x2  }
0x4e: {  	s0 =	rddreg [dreg:$0x0];
	s2 =	stileid.u32  }
0x4f: {  	s1 =	rddreg [dreg:$0x1];
	p0 =	sne.s32 s2, $0x0  }
0x50: {  	s3 =	rddreg [dreg:$0x2];
	[bflag:$0x3] =	sbarrier.arrive $0xFFFF;
	s2 =	simm.s32 @!p0 $0x1C01  }
0x51: {  	[timem:s3], [sflag:s2] =	dma.local @!p0 [hbm:s0], s1  }
0x52: {  	s0 =	simm.s32 @!p0 $0x1  }
0x53: {  	_ =	swait.ge @!p0 [sflag:s0], s1  }
0x54: {  	s1 =	ssub.s32 @!p0 $0x0, s1;
	[sflag:s0] =	ssyncset.done @!p0 $0x0  }
0x55: {  	[sflag:s0] =	ssyncadd.s32 @!p0 s1  }
0x56: {  	[bflag:$0x3] =	sbarrier.arrive $0xFFFF  }
0x57: {  	_ =	shalt  }

</sc_bundles>
